<compile_context>
chip_gen: v7x
topology: tpu7x:2x2x1
jax: 0.10.2.dev20260603
libtpu: 0.0.44.dev20260713+nightly
codegen_flags: <defaults>
</compile_context>

<pallas_src>
import functools

import jax
import jax.numpy as jnp
from jax import lax
from jax.experimental import pallas as pl
from jax.experimental.pallas import tpu as pltpu
from jax.experimental.pallas import tpu_sc as plsc

B = 4096
VOCAB = 128
EMB = 128
N_DENSE = 13
BM = 512
NBLK = B // BM
AM = 1024
ANBLK = B // AM

_NC = 1
_NS = 16
_NW = _NC * _NS
_L = 16


def _sc_fm_dot(emb, idx, fwe):
    bpw = B // _NW

    mesh = plsc.VectorSubcoreMesh(core_axis_name="c", subcore_axis_name="s", num_cores=1)

    @functools.partial(
        pl.kernel,
        mesh=mesh,
        out_type=jax.ShapeDtypeStruct((B, _L), jnp.float32),
        scratch_types=[
            pltpu.VMEM((VOCAB, EMB), jnp.float32),
            pltpu.VMEM((bpw + _L,), jnp.int32),
            pltpu.VMEM((EMB,), jnp.float32),
            pltpu.VMEM((bpw, _L), jnp.float32),
        ],
    )
    def gk(emb_hbm, idx_hbm, fwe_hbm, out_hbm, table_v, idx_v, fwe_v, bp_v):
        wid = lax.axis_index("s") * _NC + lax.axis_index("c")
        base = wid * bpw
        pltpu.sync_copy(emb_hbm, table_v)
        pltpu.sync_copy(idx_hbm.at[pl.ds(base, bpw)], idx_v.at[pl.ds(0, bpw)])
        pltpu.sync_copy(fwe_hbm, fwe_v)

        fw_chunks = [fwe_v[pl.ds(c * _L, _L)] for c in range(EMB // _L)]

        def body(r, _):
            v = idx_v[pl.ds(r, _L)][0]
            acc = table_v[v, pl.ds(0, _L)] * fw_chunks[0]
            for c in range(1, EMB // _L):
                acc = acc + table_v[v, pl.ds(c * _L, _L)] * fw_chunks[c]
            bp_v[r, :] = acc
            return 0

        lax.fori_loop(0, bpw, body, 0)
        pltpu.sync_copy(bp_v, out_hbm.at[pl.ds(base, bpw)])

    return gk(emb, idx, fwe)


def _mlp_body(idxr_ref, emb_ref, dnt_ref, w0t_ref, b0_ref, w1t_ref,
              b1_ref, w2t_ref, b2_ref, wo_ref, bo_ref, a_ref):
    bf = jnp.bfloat16
    nt = (((1,), (0,)), ((), ()))
    tt = (((0,), (0,)), ((), ()))
    onehot_t = (lax.broadcasted_iota(jnp.int32, (VOCAB, 1), 0) ==
                idxr_ref[...]).astype(bf)
    e = lax.dot_general(onehot_t, emb_ref[...].astype(bf), tt,
                        preferred_element_type=jnp.float32).astype(bf)
    w0t = w0t_ref[...].astype(bf)
    h = lax.dot_general(e, w0t[:EMB, :], nt, preferred_element_type=jnp.float32)
    h += lax.dot_general(dnt_ref[...].astype(bf), w0t[EMB:, :], tt,
                         preferred_element_type=jnp.float32)
    h = jnp.maximum(h + b0_ref[...], 0.0).astype(bf)
    h = lax.dot_general(h, w1t_ref[...].astype(bf), nt,
                        preferred_element_type=jnp.float32)
    h = jnp.maximum(h + b1_ref[...], 0.0).astype(bf)
    h = lax.dot_general(h, w2t_ref[...].astype(bf), nt,
                        preferred_element_type=jnp.float32)
    h = jnp.maximum(h + b2_ref[...], 0.0)
    a_ref[...] = jnp.sum(h * wo_ref[...], axis=1, keepdims=True) + bo_ref[0, 0]


def _bcast_body(a_ref, bp_ref, dnt_ref, fwd_ref, fb_ref, out_ref, brow_s):
    i = pl.program_id(0)

    @pl.when(i == 0)
    def _():
        brow = lax.dot_general(jnp.ones((1, _L), jnp.float32), bp_ref[...],
                               (((1,), (1,)), ((), ())),
                               preferred_element_type=jnp.float32)
        brow += lax.dot_general(fwd_ref[...], dnt_ref[...],
                                (((1,), (0,)), ((), ())),
                                preferred_element_type=jnp.float32)
        brow_s[...] = brow + fb_ref[0, 0]

    a = a_ref[pl.ds(i * BM, BM), :]
    out_ref[...] = 0.5 * jnp.tanh(0.5 * (a + brow_s[...])) + 0.5


def _full(shape):
    return pl.BlockSpec(shape, lambda i: (0,) * len(shape))


def _mlp_call(idxr, emb, dnt, w0t, b0, w1t, b1, w2t, b2, wo, bo):
    return pl.pallas_call(
        _mlp_body,
        grid=(ANBLK,),
        in_specs=[
            pl.BlockSpec((1, AM), lambda i: (0, i)),
            _full((VOCAB, EMB)),
            pl.BlockSpec((N_DENSE, AM), lambda i: (0, i)),
            _full(w0t.shape),
            _full(b0.shape),
            _full(w1t.shape),
            _full(b1.shape),
            _full(w2t.shape),
            _full(b2.shape),
            _full(wo.shape),
            _full(bo.shape),
        ],
        out_specs=pl.BlockSpec((AM, 1), lambda i: (i, 0)),
        out_shape=jax.ShapeDtypeStruct((B, 1), jnp.float32),
    )(idxr, emb, dnt, w0t, b0, w1t, b1, w2t, b2, wo, bo)


def _bcast_call(a, bp, dnt, fwd, fb):
    args = (a, bp, dnt, fwd, fb)
    return pl.pallas_call(
        _bcast_body,
        grid=(NBLK,),
        in_specs=[_full(x.shape) for x in args],
        out_specs=pl.BlockSpec((BM, B), lambda i: (i, 0)),
        out_shape=jax.ShapeDtypeStruct((B, B), jnp.float32),
        scratch_shapes=[pltpu.VMEM((1, B), jnp.float32)],
    )(*args)


def kernel(sparse_inputs, dense_inputs, emb, fm_w, fm_b, w0, b0, w1, b1, w2,
           b2, wo, bo):
    idx32 = sparse_inputs.astype(jnp.int32)
    idx = idx32.reshape(-1)
    idxr = idx32.reshape(1, B)
    dnt = dense_inputs.T
    fwe = fm_w[:, :EMB]
    fwd = fm_w[:, EMB:]

    bp = _sc_fm_dot(emb, idx, fwe.reshape(-1))

    a = _mlp_call(
        idxr, emb, dnt, w0.T, b0.reshape(1, -1), w1.T, b1.reshape(1, -1),
        w2.T, b2.reshape(1, -1), wo, bo.reshape(1, 1))

    return _bcast_call(a, bp, dnt, fwd, fm_b.reshape(1, 1))

# --- scband reference (transcript-rebuilt; emitter-appended) ---
"""Pipeline reference for scband-deep-fm-53266184405696 (READ-ONLY COPY).

The authoritative reference and input builder live on the scoring server;
editing this copy changes nothing except your own understanding.
"""

import jax, jax.numpy as jnp
import numpy as np

B = 4096
VOCAB = 128
EMB = 128
N_DENSE = 13
HIDDEN = [512, 256, 128]


def setup_inputs(seed: int = 0) -> dict:
    key = jax.random.key(seed)
    ks = jax.random.split(key, 12)
    sparse_inputs = jax.random.randint(ks[0], (B, 1), 0, VOCAB)
    dense_inputs = jax.random.normal(ks[1], (B, N_DENSE), dtype=jnp.float32)
    emb = jax.random.normal(ks[2], (VOCAB, EMB), dtype=jnp.float32) * 0.02
    fm_w = jax.random.normal(ks[3], (1, VOCAB + N_DENSE), dtype=jnp.float32) * 0.02
    fm_b = jnp.zeros((1,), dtype=jnp.float32)
    w0 = jax.random.normal(ks[4], (HIDDEN[0], EMB + N_DENSE), dtype=jnp.float32) * 0.02
    b0 = jnp.zeros((HIDDEN[0],), dtype=jnp.float32)
    w1 = jax.random.normal(ks[5], (HIDDEN[1], HIDDEN[0]), dtype=jnp.float32) * 0.02
    b1 = jnp.zeros((HIDDEN[1],), dtype=jnp.float32)
    w2 = jax.random.normal(ks[6], (HIDDEN[2], HIDDEN[1]), dtype=jnp.float32) * 0.02
    b2 = jnp.zeros((HIDDEN[2],), dtype=jnp.float32)
    wo = jax.random.normal(ks[7], (1, HIDDEN[2]), dtype=jnp.float32) * 0.02
    bo = jnp.zeros((1,), dtype=jnp.float32)
    return {
        "sparse_inputs": sparse_inputs,
        "dense_inputs": dense_inputs,
        "emb": emb,
        "fm_w": fm_w,
        "fm_b": fm_b,
        "w0": w0,
        "b0": b0,
        "w1": w1,
        "b1": b1,
        "w2": w2,
        "b2": b2,
        "wo": wo,
        "bo": bo,
    }


def reference(sparse_inputs, dense_inputs, emb, fm_w, fm_b, w0, b0, w1, b1, w2, b2, wo, bo):
    # embedding lookup: [B, 1, EMB]
    e = jnp.take(emb, sparse_inputs, axis=0)
    sparse_output = jnp.sum(e, axis=1)  # [B, EMB]
    fm_input = jnp.concatenate([sparse_output, dense_inputs], axis=1)  # [B, EMB + N_DENSE]
    fm_linear_output = (fm_input @ fm_w.T + fm_b)[:, 0]  # [B]
    fm_output = 0.5 * jnp.sum(jnp.sum(e, axis=1) ** 2 - jnp.sum(e ** 2, axis=1), axis=1, keepdims=True)  # [B, 1]
    deep_input = jnp.concatenate([e.reshape(e.shape[0], -1), dense_inputs], axis=1)  # [B, EMB + N_DENSE]
    h = jax.nn.relu(deep_input @ w0.T + b0)
    h = jax.nn.relu(h @ w1.T + b1)
    h = jax.nn.relu(h @ w2.T + b2)
    deep_output = h @ wo.T + bo  # [B, 1]
    # NOTE: faithful to torch broadcasting: [B] + [B,1] + [B,1] -> [B, B]
    output = fm_linear_output + fm_output + deep_output
    return jax.nn.sigmoid(output)

if __name__ == "__main__":
    import jax
    _d = setup_inputs()
    print(jax.jit(kernel)(*tuple(_d.values())))

</pallas_src>

<mosaic_0001>
#map = affine_map<(d0, d1) -> (0, 0)>
#map1 = affine_map<(d0, d1) -> (0)>
module attributes {stable_mosaic.version = 14 : i64} {
  func.func @gk(%arg0: i32, %arg1: i32, %arg2: memref<128x128xf32, #tpu.memory_space<hbm>>, %arg3: memref<4096xi32, #tpu.memory_space<hbm>>, %arg4: memref<128xf32, #tpu.memory_space<hbm>>, %arg5: memref<4096x16xf32, #tpu.memory_space<hbm>>, %arg6: memref<128x128xf32, #tpu.memory_space<vmem>>, %arg7: memref<272xi32, #tpu.memory_space<vmem>>, %arg8: memref<128xf32, #tpu.memory_space<vmem>>, %arg9: memref<256x16xf32, #tpu.memory_space<vmem>>) attributes {dimension_semantics = [#tpu.dimension_semantics<core_parallel>, #tpu.dimension_semantics<subcore_parallel>], iteration_bounds = array<i64: 1, 16>, scalar_prefetch = 0 : i64, scratch_operands = 4 : i64, tpu.core_type = #tpu.core_type<sc_vector_subcore>, window_params = [{transform_indices = #map}, {transform_indices = #map1}, {transform_indices = #map1}, {transform_indices = #map}]} {
    %mul3A = arith.constant 1 : i32
    %mul3A_0 = arith.muli %arg1, %mul3A : i32
    %add3A = arith.addi %mul3A_0, %arg0 : i32
    %mul3A_1 = arith.constant 256 : i32
    %mul3A_2 = arith.muli %add3A, %mul3A_1 : i32
    "tpu.region"() ({
      %run_scoped3A = tpu.sem_alloc : memref<!tpu.dma_semaphore, #tpu.memory_space<semaphore_mem>>
      tpu.enqueue_dma source(%arg2 : memref<128x128xf32, #tpu.memory_space<hbm>>) target(%arg6 : memref<128x128xf32, #tpu.memory_space<vmem>>) target_semaphore(%run_scoped3A : memref<!tpu.dma_semaphore, #tpu.memory_space<semaphore_mem>>)
      tpu.wait_dma2 semaphore(%run_scoped3A : memref<!tpu.dma_semaphore, #tpu.memory_space<semaphore_mem>>) src(%arg2 : memref<128x128xf32, #tpu.memory_space<hbm>>) dst(%arg6 : memref<128x128xf32, #tpu.memory_space<vmem>>)
      tpu.yield
    }) : () -> ()
    "tpu.region"() ({
      %run_scoped3A = tpu.sem_alloc : memref<!tpu.dma_semaphore, #tpu.memory_space<semaphore_mem>>
      %dma_start3A = arith.constant 0 : i32
      %dma_start3A_32 = tpu.memref_slice %arg7[%dma_start3A] : memref<272xi32, #tpu.memory_space<vmem>> -> memref<256xi32, #tpu.memory_space<vmem>>
      %dma_start3A_33 = tpu.memref_slice %arg3[%mul3A_2] : memref<4096xi32, #tpu.memory_space<hbm>> -> memref<256xi32, #tpu.memory_space<hbm>>
      %dma_start3A_34 = arith.constant 0 : i32
      %dma_start3A_35 = tpu.memref_slice %arg7[%dma_start3A_34] : memref<272xi32, #tpu.memory_space<vmem>> -> memref<256xi32, #tpu.memory_space<vmem>>
      %dma_start3A_36 = tpu.memref_slice %arg3[%mul3A_2] : memref<4096xi32, #tpu.memory_space<hbm>> -> memref<256xi32, #tpu.memory_space<hbm>>
      tpu.enqueue_dma source(%dma_start3A_36 : memref<256xi32, #tpu.memory_space<hbm>>) target(%dma_start3A_35 : memref<256xi32, #tpu.memory_space<vmem>>) target_semaphore(%run_scoped3A : memref<!tpu.dma_semaphore, #tpu.memory_space<semaphore_mem>>)
      %dma_wait3A = arith.constant 0 : i32
      %dma_wait3A_37 = tpu.memref_slice %arg7[%dma_wait3A] : memref<272xi32, #tpu.memory_space<vmem>> -> memref<256xi32, #tpu.memory_space<vmem>>
      %dma_wait3A_38 = tpu.memref_slice %arg3[%mul3A_2] : memref<4096xi32, #tpu.memory_space<hbm>> -> memref<256xi32, #tpu.memory_space<hbm>>
      %dma_wait3A_39 = arith.constant 0 : i32
      %dma_wait3A_40 = tpu.memref_slice %arg7[%dma_wait3A_39] : memref<272xi32, #tpu.memory_space<vmem>> -> memref<256xi32, #tpu.memory_space<vmem>>
      %dma_wait3A_41 = tpu.memref_slice %arg3[%mul3A_2] : memref<4096xi32, #tpu.memory_space<hbm>> -> memref<256xi32, #tpu.memory_space<hbm>>
      tpu.wait_dma2 semaphore(%run_scoped3A : memref<!tpu.dma_semaphore, #tpu.memory_space<semaphore_mem>>) src(%dma_wait3A_41 : memref<256xi32, #tpu.memory_space<hbm>>) dst(%dma_wait3A_40 : memref<256xi32, #tpu.memory_space<vmem>>)
      tpu.yield
    }) : () -> ()
    "tpu.region"() ({
      %run_scoped3A = tpu.sem_alloc : memref<!tpu.dma_semaphore, #tpu.memory_space<semaphore_mem>>
      tpu.enqueue_dma source(%arg4 : memref<128xf32, #tpu.memory_space<hbm>>) target(%arg8 : memref<128xf32, #tpu.memory_space<vmem>>) target_semaphore(%run_scoped3A : memref<!tpu.dma_semaphore, #tpu.memory_space<semaphore_mem>>)
      tpu.wait_dma2 semaphore(%run_scoped3A : memref<!tpu.dma_semaphore, #tpu.memory_space<semaphore_mem>>) src(%arg4 : memref<128xf32, #tpu.memory_space<hbm>>) dst(%arg8 : memref<128xf32, #tpu.memory_space<vmem>>)
      tpu.yield
    }) : () -> ()
    %get3A = arith.constant 0 : index
    %get3A_3 = tpu.vector_load %arg8[%get3A] {strides = array<i32>} : memref<128xf32, #tpu.memory_space<vmem>>, vector<16xf32>,
    %get3A_4 = vector.shape_cast %get3A_3 : vector<16xf32> to vector<16xf32>
    %get3A_5 = arith.constant 16 : index
    %get3A_6 = tpu.vector_load %arg8[%get3A_5] {strides = array<i32>} : memref<128xf32, #tpu.memory_space<vmem>>, vector<16xf32>,
    %get3A_7 = vector.shape_cast %get3A_6 : vector<16xf32> to vector<16xf32>
    %get3A_8 = arith.constant 32 : index
    %get3A_9 = tpu.vector_load %arg8[%get3A_8] {strides = array<i32>} : memref<128xf32, #tpu.memory_space<vmem>>, vector<16xf32>,
    %get3A_10 = vector.shape_cast %get3A_9 : vector<16xf32> to vector<16xf32>
    %get3A_11 = arith.constant 48 : index
    %get3A_12 = tpu.vector_load %arg8[%get3A_11] {strides = array<i32>} : memref<128xf32, #tpu.memory_space<vmem>>, vector<16xf32>,
    %get3A_13 = vector.shape_cast %get3A_12 : vector<16xf32> to vector<16xf32>
    %get3A_14 = arith.constant 64 : index
    %get3A_15 = tpu.vector_load %arg8[%get3A_14] {strides = array<i32>} : memref<128xf32, #tpu.memory_space<vmem>>, vector<16xf32>,
    %get3A_16 = vector.shape_cast %get3A_15 : vector<16xf32> to vector<16xf32>
    %get3A_17 = arith.constant 80 : index
    %get3A_18 = tpu.vector_load %arg8[%get3A_17] {strides = array<i32>} : memref<128xf32, #tpu.memory_space<vmem>>, vector<16xf32>,
    %get3A_19 = vector.shape_cast %get3A_18 : vector<16xf32> to vector<16xf32>
    %get3A_20 = arith.constant 96 : index
    %get3A_21 = tpu.vector_load %arg8[%get3A_20] {strides = array<i32>} : memref<128xf32, #tpu.memory_space<vmem>>, vector<16xf32>,
    %get3A_22 = vector.shape_cast %get3A_21 : vector<16xf32> to vector<16xf32>
    %get3A_23 = arith.constant 112 : index
    %get3A_24 = tpu.vector_load %arg8[%get3A_23] {strides = array<i32>} : memref<128xf32, #tpu.memory_space<vmem>>, vector<16xf32>,
    %get3A_25 = vector.shape_cast %get3A_24 : vector<16xf32> to vector<16xf32>
    %scan3A = arith.constant 0 : i32
    %scan3A_26 = arith.constant 0 : i32
    %scan3A_27 = arith.constant 256 : i32
    %scan3A_28 = arith.addi %scan3A_26, %scan3A_27 : i32
    %scan3A_29 = arith.constant 1 : i32
    %scan3A_30 = scf.for %scan3A_32 = %scan3A_26 to %scan3A_28 step %scan3A_29 iter_args(%scan3A_33 = %scan3A) -> (i32)  : i32 {
      %get3A_34 = arith.index_cast %scan3A_32 : i32 to index
      %get3A_35 = tpu.vector_load %arg7[%get3A_34] {strides = array<i32>} : memref<272xi32, #tpu.memory_space<vmem>>, vector<16xi32>,
      %get3A_36 = vector.shape_cast %get3A_35 : vector<16xi32> to vector<16xi32>
      %slice3A = vector.extract_strided_slice %get3A_36 {offsets = [0], sizes = [1], strides = [1]} : vector<16xi32> to vector<1xi32>
      %squeeze3A = vector.extract %slice3A[0] : i32 from vector<1xi32>
      %get3A_37 = arith.index_cast %squeeze3A : i32 to index
      %get3A_38 = arith.constant 0 : index
      %get3A_39 = tpu.vector_load %arg6[%get3A_37, %get3A_38] {strides = array<i32>} : memref<128x128xf32, #tpu.memory_space<vmem>>, vector<1x16xf32>,
      %get3A_40 = vector.shape_cast %get3A_39 : vector<1x16xf32> to vector<16xf32>
      %mul3A_41 = arith.mulf %get3A_40, %get3A_4 : vector<16xf32>
      %get3A_42 = arith.index_cast %squeeze3A : i32 to index
      %get3A_43 = arith.constant 16 : index
      %get3A_44 = tpu.vector_load %arg6[%get3A_42, %get3A_43] {strides = array<i32>} : memref<128x128xf32, #tpu.memory_space<vmem>>, vector<1x16xf32>,
      %get3A_45 = vector.shape_cast %get3A_44 : vector<1x16xf32> to vector<16xf32>
      %mul3A_46 = arith.mulf %get3A_45, %get3A_7 : vector<16xf32>
      %add3A_47 = arith.addf %mul3A_41, %mul3A_46 : vector<16xf32>
      %get3A_48 = arith.index_cast %squeeze3A : i32 to index
      %get3A_49 = arith.constant 32 : index
      %get3A_50 = tpu.vector_load %arg6[%get3A_48, %get3A_49] {strides = array<i32>} : memref<128x128xf32, #tpu.memory_space<vmem>>, vector<1x16xf32>,
      %get3A_51 = vector.shape_cast %get3A_50 : vector<1x16xf32> to vector<16xf32>
      %mul3A_52 = arith.mulf %get3A_51, %get3A_10 : vector<16xf32>
      %add3A_53 = arith.addf %add3A_47, %mul3A_52 : vector<16xf32>
      %get3A_54 = arith.index_cast %squeeze3A : i32 to index
      %get3A_55 = arith.constant 48 : index
      %get3A_56 = tpu.vector_load %arg6[%get3A_54, %get3A_55] {strides = array<i32>} : memref<128x128xf32, #tpu.memory_space<vmem>>, vector<1x16xf32>,
      %get3A_57 = vector.shape_cast %get3A_56 : vector<1x16xf32> to vector<16xf32>
      %mul3A_58 = arith.mulf %get3A_57, %get3A_13 : vector<16xf32>
      %add3A_59 = arith.addf %add3A_53, %mul3A_58 : vector<16xf32>
      %get3A_60 = arith.index_cast %squeeze3A : i32 to index
      %get3A_61 = arith.constant 64 : index
      %get3A_62 = tpu.vector_load %arg6[%get3A_60, %get3A_61] {strides = array<i32>} : memref<128x128xf32, #tpu.memory_space<vmem>>, vector<1x16xf32>,
      %get3A_63 = vector.shape_cast %get3A_62 : vector<1x16xf32> to vector<16xf32>
      %mul3A_64 = arith.mulf %get3A_63, %get3A_16 : vector<16xf32>
      %add3A_65 = arith.addf %add3A_59, %mul3A_64 : vector<16xf32>
      %get3A_66 = arith.index_cast %squeeze3A : i32 to index
      %get3A_67 = arith.constant 80 : index
      %get3A_68 = tpu.vector_load %arg6[%get3A_66, %get3A_67] {strides = array<i32>} : memref<128x128xf32, #tpu.memory_space<vmem>>, vector<1x16xf32>,
      %get3A_69 = vector.shape_cast %get3A_68 : vector<1x16xf32> to vector<16xf32>
      %mul3A_70 = arith.mulf %get3A_69, %get3A_19 : vector<16xf32>
      %add3A_71 = arith.addf %add3A_65, %mul3A_70 : vector<16xf32>
      %get3A_72 = arith.index_cast %squeeze3A : i32 to index
      %get3A_73 = arith.constant 96 : index
      %get3A_74 = tpu.vector_load %arg6[%get3A_72, %get3A_73] {strides = array<i32>} : memref<128x128xf32, #tpu.memory_space<vmem>>, vector<1x16xf32>,
      %get3A_75 = vector.shape_cast %get3A_74 : vector<1x16xf32> to vector<16xf32>
      %mul3A_76 = arith.mulf %get3A_75, %get3A_22 : vector<16xf32>
      %add3A_77 = arith.addf %add3A_71, %mul3A_76 : vector<16xf32>
      %get3A_78 = arith.index_cast %squeeze3A : i32 to index
      %get3A_79 = arith.constant 112 : index
      %get3A_80 = tpu.vector_load %arg6[%get3A_78, %get3A_79] {strides = array<i32>} : memref<128x128xf32, #tpu.memory_space<vmem>>, vector<1x16xf32>,
      %get3A_81 = vector.shape_cast %get3A_80 : vector<1x16xf32> to vector<16xf32>
      %mul3A_82 = arith.mulf %get3A_81, %get3A_25 : vector<16xf32>
      %add3A_83 = arith.addf %add3A_77, %mul3A_82 : vector<16xf32>
      %swap3A = arith.index_cast %scan3A_32 : i32 to index
      %swap3A_84 = arith.constant 0 : index
      %swap3A_85 = tpu.vector_load %arg9[%swap3A, %swap3A_84] {strides = array<i32>} : memref<256x16xf32, #tpu.memory_space<vmem>>, vector<1x16xf32>,
      %swap3A_86 = vector.shape_cast %swap3A_85 : vector<1x16xf32> to vector<16xf32>
      %swap3A_87 = vector.shape_cast %add3A_83 : vector<16xf32> to vector<1x16xf32>
      tpu.vector_store %arg9[%swap3A, %swap3A_84], %swap3A_87 {strides = array<i32>} : memref<256x16xf32, #tpu.memory_space<vmem>>, vector<1x16xf32>,
      %scan3A_88 = arith.constant 0 : i32
      scf.yield %scan3A_88 : i32
    }
    %scan3A_31 = arith.constant 256 : i32
    "tpu.region"() ({
      %run_scoped3A = tpu.sem_alloc : memref<!tpu.dma_semaphore, #tpu.memory_space<semaphore_mem>>
      %dma_start3A = arith.constant 0 : i32
      %dma_start3A_32 = tpu.memref_slice %arg5[%mul3A_2, %dma_start3A] : memref<4096x16xf32, #tpu.memory_space<hbm>> -> memref<256x16xf32, #tpu.memory_space<hbm>>
      %dma_start3A_33 = arith.constant 0 : i32
      %dma_start3A_34 = tpu.memref_slice %arg5[%mul3A_2, %dma_start3A_33] : memref<4096x16xf32, #tpu.memory_space<hbm>> -> memref<256x16xf32, #tpu.memory_space<hbm>>
      tpu.enqueue_dma source(%arg9 : memref<256x16xf32, #tpu.memory_space<vmem>>) target(%dma_start3A_34 : memref<256x16xf32, #tpu.memory_space<hbm>>) target_semaphore(%run_scoped3A : memref<!tpu.dma_semaphore, #tpu.memory_space<semaphore_mem>>)
      %dma_wait3A = arith.constant 0 : i32
      %dma_wait3A_35 = tpu.memref_slice %arg5[%mul3A_2, %dma_wait3A] : memref<4096x16xf32, #tpu.memory_space<hbm>> -> memref<256x16xf32, #tpu.memory_space<hbm>>
      %dma_wait3A_36 = arith.constant 0 : i32
      %dma_wait3A_37 = tpu.memref_slice %arg5[%mul3A_2, %dma_wait3A_36] : memref<4096x16xf32, #tpu.memory_space<hbm>> -> memref<256x16xf32, #tpu.memory_space<hbm>>
      tpu.wait_dma2 semaphore(%run_scoped3A : memref<!tpu.dma_semaphore, #tpu.memory_space<semaphore_mem>>) src(%arg9 : memref<256x16xf32, #tpu.memory_space<vmem>>) dst(%dma_wait3A_37 : memref<256x16xf32, #tpu.memory_space<hbm>>)
      tpu.yield
    }) : () -> ()
    return
  }
}

module attributes {stable_mosaic.version = 14 : i64} {
  func.func @_bcast_body(%arg0: i32, %arg1: memref<4096x1xf32, #tpu.memory_space<vmem>>, %arg2: memref<4096x16xf32, #tpu.memory_space<vmem>>, %arg3: memref<13x4096xf32, #tpu.memory_space<vmem>>, %arg4: memref<1x13xf32, #tpu.memory_space<vmem>>, %arg5: memref<1x1xf32, #tpu.memory_space<vmem>>, %arg6: memref<512x4096xf32, #tpu.memory_space<vmem>>, %arg7: memref<1x4096xf32, #tpu.memory_space<vmem>>) attributes {dimension_semantics = [#tpu.dimension_semantics<arbitrary>], iteration_bounds = array<i64: 8>, scalar_prefetch = 0 : i64, scratch_operands = 1 : i64, tpu.core_type = #tpu.core_type<tc>, window_params = [{pipeline_mode = #tpu.pipeline_mode<synchronous>, transform_indices = @transform_0, window_bounds = array<i64: 4096, 1>}, {pipeline_mode = #tpu.pipeline_mode<synchronous>, transform_indices = @transform_1, window_bounds = array<i64: 4096, 16>}, {pipeline_mode = #tpu.pipeline_mode<synchronous>, transform_indices = @transform_2, window_bounds = array<i64: 13, 4096>}, {pipeline_mode = #tpu.pipeline_mode<synchronous>, transform_indices = @transform_3, window_bounds = array<i64: 1, 13>}, {pipeline_mode = #tpu.pipeline_mode<synchronous>, transform_indices = @transform_4, window_bounds = array<i64: 1, 1>}, {transform_indices = @transform_5, window_bounds = array<i64: 512, 4096>}]} {
    %eq3A = arith.constant 0 : i32
    %eq3A_0 = arith.cmpi eq, %arg0, %eq3A : i32
    %convert_element_type3A = arith.extui %eq3A_0 : i1 to i32
    %cond3A = arith.constant 0 : i32
    %cond3A_1 = arith.cmpi ne, %convert_element_type3A, %cond3A : i32
    scf.if %cond3A_1 {
      %broadcast_in_dim3A = arith.constant 1.000000e+00 : f32
      %broadcast_in_dim3A_21 = vector.broadcast %broadcast_in_dim3A : f32 to vector<1x16xf32>
      %get3A_22 = arith.constant 0 : index
      %get3A_23 = arith.constant 0 : index
      %get3A_24 = vector.load %arg2[%get3A_22, %get3A_23] : memref<4096x16xf32, #tpu.memory_space<vmem>>, vector<4096x16xf32>
      %dot_general3A = arith.constant dense<0.000000e+00> : vector<1x4096xf32>
      %dot_general3A_25 = tpu.matmul %broadcast_in_dim3A_21, %get3A_24, %dot_general3A {dimension_numbers = #tpu.dot_dimension_numbers<[1], [1], [0], [0], [0, 0, 1, 0], [], []>, transpose_lhs_hint = false} : vector<1x16xf32>, vector<4096x16xf32>, vector<1x4096xf32> -> vector<1x4096xf32>
      %get3A_26 = arith.constant 0 : index
      %get3A_27 = arith.constant 0 : index
      %get3A_28 = vector.load %arg4[%get3A_26, %get3A_27] : memref<1x13xf32, #tpu.memory_space<vmem>>, vector<1x13xf32>
      %get3A_29 = arith.constant 0 : index
      %get3A_30 = arith.constant 0 : index
      %get3A_31 = vector.load %arg3[%get3A_29, %get3A_30] : memref<13x4096xf32, #tpu.memory_space<vmem>>, vector<13x4096xf32>
      %dot_general3A_32 = arith.constant dense<0.000000e+00> : vector<1x4096xf32>
      %dot_general3A_33 = tpu.matmul %get3A_28, %get3A_31, %dot_general3A_32 {dimension_numbers = #tpu.dot_dimension_numbers<[1], [0], [0], [1], [0, 0, 1, 1], [], []>, transpose_lhs_hint = false} : vector<1x13xf32>, vector<13x4096xf32>, vector<1x4096xf32> -> vector<1x4096xf32>
      %add3A_34 = arith.addf %dot_general3A_25, %dot_general3A_33 : vector<1x4096xf32>
      %get3A_35 = arith.constant 0 : index
      %get3A_36 = arith.constant 0 : index
      %get3A_37 = vector.load %arg5[%get3A_35, %get3A_36] : memref<1x1xf32, #tpu.memory_space<vmem>>, vector<1x1xf32>
      %get3A_38 = vector.extract %get3A_37[0, 0] : f32 from vector<1x1xf32>
      %add3A_39 = vector.broadcast %get3A_38 : f32 to vector<1x4096xf32>
      %add3A_40 = arith.addf %add3A_34, %add3A_39 : vector<1x4096xf32>
      %swap3A_41 = arith.constant 0 : index
      %swap3A_42 = arith.constant 0 : index
      %swap3A_43 = vector.load %arg7[%swap3A_41, %swap3A_42] : memref<1x4096xf32, #tpu.memory_space<vmem>>, vector<1x4096xf32>
      tpu.vector_store %arg7[%swap3A_41, %swap3A_42], %add3A_40 {strides = array<i32>} : memref<1x4096xf32, #tpu.memory_space<vmem>>, vector<1x4096xf32>,
    } else {
    }
    %mul3A = arith.constant 512 : i32
    %mul3A_2 = arith.muli %arg0, %mul3A : i32
    %get3A = arith.index_cast %mul3A_2 : i32 to index
    %get3A_3 = arith.constant 0 : index
    %get3A_4 = vector.load %arg1[%get3A, %get3A_3] : memref<4096x1xf32, #tpu.memory_space<vmem>>, vector<512x1xf32>
    %get3A_5 = arith.constant 0 : index
    %get3A_6 = arith.constant 0 : index
    %get3A_7 = vector.load %arg7[%get3A_5, %get3A_6] : memref<1x4096xf32, #tpu.memory_space<vmem>>, vector<1x4096xf32>
    %add3A = vector.broadcast %get3A_4 : vector<512x1xf32> to vector<512x4096xf32>
    %add3A_8 = vector.broadcast %get3A_7 : vector<1x4096xf32> to vector<512x4096xf32>
    %add3A_9 = arith.addf %add3A, %add3A_8 : vector<512x4096xf32>
    %mul3A_10 = arith.constant 5.000000e-01 : f32
    %mul3A_11 = vector.broadcast %mul3A_10 : f32 to vector<512x4096xf32>
    %mul3A_12 = arith.mulf %mul3A_11, %add3A_9 : vector<512x4096xf32>
    %tanh3A = math.tanh %mul3A_12 : vector<512x4096xf32>
    %mul3A_13 = arith.constant 5.000000e-01 : f32
    %mul3A_14 = vector.broadcast %mul3A_13 : f32 to vector<512x4096xf32>
    %mul3A_15 = arith.mulf %mul3A_14, %tanh3A : vector<512x4096xf32>
    %add3A_16 = arith.constant 5.000000e-01 : f32
    %add3A_17 = vector.broadcast %add3A_16 : f32 to vector<512x4096xf32>
    %add3A_18 = arith.addf %mul3A_15, %add3A_17 : vector<512x4096xf32>
    %swap3A = arith.constant 0 : index
    %swap3A_19 = arith.constant 0 : index
    %swap3A_20 = vector.load %arg6[%swap3A, %swap3A_19] : memref<512x4096xf32, #tpu.memory_space<vmem>>, vector<512x4096xf32>
    tpu.vector_store %arg6[%swap3A, %swap3A_19], %add3A_18 {strides = array<i32>} : memref<512x4096xf32, #tpu.memory_space<vmem>>, vector<512x4096xf32>,
    return
  }
  func.func @transform_0(%arg0: i32) -> (i32, i32) {
    %c0_i32 = arith.constant 0 : i32
    %c0_i32_0 = arith.constant 0 : i32
    %c0_i32_1 = arith.constant 0 : i32
    return %c0_i32, %c0_i32_0 : i32, i32
  }
  func.func @transform_1(%arg0: i32) -> (i32, i32) {
    %c0_i32 = arith.constant 0 : i32
    %c0_i32_0 = arith.constant 0 : i32
    %c0_i32_1 = arith.constant 0 : i32
    return %c0_i32, %c0_i32_0 : i32, i32
  }
  func.func @transform_2(%arg0: i32) -> (i32, i32) {
    %c0_i32 = arith.constant 0 : i32
    %c0_i32_0 = arith.constant 0 : i32
    %c0_i32_1 = arith.constant 0 : i32
    return %c0_i32, %c0_i32_0 : i32, i32
  }
  func.func @transform_3(%arg0: i32) -> (i32, i32) {
    %c0_i32 = arith.constant 0 : i32
    %c0_i32_0 = arith.constant 0 : i32
    %c0_i32_1 = arith.constant 0 : i32
    return %c0_i32, %c0_i32_0 : i32, i32
  }
  func.func @transform_4(%arg0: i32) -> (i32, i32) {
    %c0_i32 = arith.constant 0 : i32
    %c0_i32_0 = arith.constant 0 : i32
    %c0_i32_1 = arith.constant 0 : i32
    return %c0_i32, %c0_i32_0 : i32, i32
  }
  func.func @transform_5(%arg0: i32) -> (i32, i32) {
    %c0_i32 = arith.constant 0 : i32
    %c0_i32_0 = arith.constant 0 : i32
    return %arg0, %c0_i32 : i32, i32
  }
}

module attributes {stable_mosaic.version = 14 : i64} {
  func.func @_mlp_body(%arg0: i32, %arg1: memref<1x1024xi32, #tpu.memory_space<vmem>>, %arg2: memref<128x128xf32, #tpu.memory_space<vmem>>, %arg3: memref<13x1024xf32, #tpu.memory_space<vmem>>, %arg4: memref<141x512xf32, #tpu.memory_space<vmem>>, %arg5: memref<1x512xf32, #tpu.memory_space<vmem>>, %arg6: memref<512x256xf32, #tpu.memory_space<vmem>>, %arg7: memref<1x256xf32, #tpu.memory_space<vmem>>, %arg8: memref<256x128xf32, #tpu.memory_space<vmem>>, %arg9: memref<1x128xf32, #tpu.memory_space<vmem>>, %arg10: memref<1x128xf32, #tpu.memory_space<vmem>>, %arg11: memref<1x1xf32, #tpu.memory_space<vmem>>, %arg12: memref<1024x1xf32, #tpu.memory_space<vmem>>) attributes {dimension_semantics = [#tpu.dimension_semantics<arbitrary>], iteration_bounds = array<i64: 4>, scalar_prefetch = 0 : i64, scratch_operands = 0 : i64, tpu.core_type = #tpu.core_type<tc>, window_params = [{transform_indices = @transform_0, window_bounds = array<i64: 1, 1024>}, {pipeline_mode = #tpu.pipeline_mode<synchronous>, transform_indices = @transform_1, window_bounds = array<i64: 128, 128>}, {transform_indices = @transform_2, window_bounds = array<i64: 13, 1024>}, {pipeline_mode = #tpu.pipeline_mode<synchronous>, transform_indices = @transform_3, window_bounds = array<i64: 141, 512>}, {pipeline_mode = #tpu.pipeline_mode<synchronous>, transform_indices = @transform_4, window_bounds = array<i64: 1, 512>}, {pipeline_mode = #tpu.pipeline_mode<synchronous>, transform_indices = @transform_5, window_bounds = array<i64: 512, 256>}, {pipeline_mode = #tpu.pipeline_mode<synchronous>, transform_indices = @transform_6, window_bounds = array<i64: 1, 256>}, {pipeline_mode = #tpu.pipeline_mode<synchronous>, transform_indices = @transform_7, window_bounds = array<i64: 256, 128>}, {pipeline_mode = #tpu.pipeline_mode<synchronous>, transform_indices = @transform_8, window_bounds = array<i64: 1, 128>}, {pipeline_mode = #tpu.pipeline_mode<synchronous>, transform_indices = @transform_9, window_bounds = array<i64: 1, 128>}, {pipeline_mode = #tpu.pipeline_mode<synchronous>, transform_indices = @transform_10, window_bounds = array<i64: 1, 1>}, {transform_indices = @transform_11, window_bounds = array<i64: 1024, 1>}]} {
    %iota3A = tpu.iota {dimensions = array<i32: 0>} : vector<128x1xi32>
    %get3A = arith.constant 0 : index
    %get3A_0 = arith.constant 0 : index
    %get3A_1 = vector.load %arg1[%get3A, %get3A_0] : memref<1x1024xi32, #tpu.memory_space<vmem>>, vector<1x1024xi32>
    %eq3A = vector.broadcast %iota3A : vector<128x1xi32> to vector<128x1024xi32>
    %eq3A_2 = vector.broadcast %get3A_1 : vector<1x1024xi32> to vector<128x1024xi32>
    %eq3A_3 = arith.cmpi eq, %eq3A, %eq3A_2 : vector<128x1024xi32>
    %convert_element_type3A = arith.extui %eq3A_3 : vector<128x1024xi1> to vector<128x1024xi32>
    %convert_element_type3A_4 = arith.sitofp %convert_element_type3A : vector<128x1024xi32> to vector<128x1024xf32>
    %convert_element_type3A_5 = arith.truncf %convert_element_type3A_4 : vector<128x1024xf32> to vector<128x1024xbf16>
    %get3A_6 = arith.constant 0 : index
    %get3A_7 = arith.constant 0 : index
    %get3A_8 = vector.load %arg2[%get3A_6, %get3A_7] : memref<128x128xf32, #tpu.memory_space<vmem>>, vector<128x128xf32>
    %convert_element_type3A_9 = arith.truncf %get3A_8 : vector<128x128xf32> to vector<128x128xbf16>
    %dot_general3A = arith.constant dense<0.000000e+00> : vector<1024x128xf32>
    %dot_general3A_10 = tpu.matmul %convert_element_type3A_5, %convert_element_type3A_9, %dot_general3A {dimension_numbers = #tpu.dot_dimension_numbers<[0], [0], [1], [1], [0, 1, 1, 1], [], []>, transpose_lhs_hint = false} : vector<128x1024xbf16>, vector<128x128xbf16>, vector<1024x128xf32> -> vector<1024x128xf32>
    %convert_element_type3A_11 = arith.truncf %dot_general3A_10 : vector<1024x128xf32> to vector<1024x128xbf16>
    %get3A_12 = arith.constant 0 : index
    %get3A_13 = arith.constant 0 : index
    %get3A_14 = vector.load %arg4[%get3A_12, %get3A_13] : memref<141x512xf32, #tpu.memory_space<vmem>>, vector<141x512xf32>
    %convert_element_type3A_15 = arith.truncf %get3A_14 : vector<141x512xf32> to vector<141x512xbf16>
    %slice3A = vector.extract_strided_slice %convert_element_type3A_15 {offsets = [0, 0], sizes = [128, 512], strides = [1, 1]} : vector<141x512xbf16> to vector<128x512xbf16>
    %dot_general3A_16 = arith.constant dense<0.000000e+00> : vector<1024x512xf32>
    %dot_general3A_17 = tpu.matmul %convert_element_type3A_11, %slice3A, %dot_general3A_16 {dimension_numbers = #tpu.dot_dimension_numbers<[1], [0], [0], [1], [0, 0, 1, 1], [], []>, transpose_lhs_hint = false} : vector<1024x128xbf16>, vector<128x512xbf16>, vector<1024x512xf32> -> vector<1024x512xf32>
    %get3A_18 = arith.constant 0 : index
    %get3A_19 = arith.constant 0 : index
    %get3A_20 = vector.load %arg3[%get3A_18, %get3A_19] : memref<13x1024xf32, #tpu.memory_space<vmem>>, vector<13x1024xf32>
    %convert_element_type3A_21 = arith.truncf %get3A_20 : vector<13x1024xf32> to vector<13x1024xbf16>
    %slice3A_22 = vector.extract_strided_slice %convert_element_type3A_15 {offsets = [128, 0], sizes = [13, 512], strides = [1, 1]} : vector<141x512xbf16> to vector<13x512xbf16>
    %dot_general3A_23 = arith.constant dense<0.000000e+00> : vector<1024x512xf32>
    %dot_general3A_24 = tpu.matmul %convert_element_type3A_21, %slice3A_22, %dot_general3A_23 {dimension_numbers = #tpu.dot_dimension_numbers<[0], [0], [1], [1], [0, 1, 1, 1], [], []>, transpose_lhs_hint = false} : vector<13x1024xbf16>, vector<13x512xbf16>, vector<1024x512xf32> -> vector<1024x512xf32>
    %add3A = arith.addf %dot_general3A_17, %dot_general3A_24 : vector<1024x512xf32>
    %get3A_25 = arith.constant 0 : index
    %get3A_26 = arith.constant 0 : index
    %get3A_27 = vector.load %arg5[%get3A_25, %get3A_26] : memref<1x512xf32, #tpu.memory_space<vmem>>, vector<1x512xf32>
    %add3A_28 = vector.broadcast %get3A_27 : vector<1x512xf32> to vector<1024x512xf32>
    %add3A_29 = arith.addf %add3A, %add3A_28 : vector<1024x512xf32>
    %max3A = arith.constant 0.000000e+00 : f32
    %max3A_30 = vector.broadcast %max3A : f32 to vector<1024x512xf32>
    %max3A_31 = arith.maximumf %add3A_29, %max3A_30 : vector<1024x512xf32>
    %convert_element_type3A_32 = arith.truncf %max3A_31 : vector<1024x512xf32> to vector<1024x512xbf16>
    %get3A_33 = arith.constant 0 : index
    %get3A_34 = arith.constant 0 : index
    %get3A_35 = vector.load %arg6[%get3A_33, %get3A_34] : memref<512x256xf32, #tpu.memory_space<vmem>>, vector<512x256xf32>
    %convert_element_type3A_36 = arith.truncf %get3A_35 : vector<512x256xf32> to vector<512x256xbf16>
    %dot_general3A_37 = arith.constant dense<0.000000e+00> : vector<1024x256xf32>
    %dot_general3A_38 = tpu.matmul %convert_element_type3A_32, %convert_element_type3A_36, %dot_general3A_37 {dimension_numbers = #tpu.dot_dimension_numbers<[1], [0], [0], [1], [0, 0, 1, 1], [], []>, transpose_lhs_hint = false} : vector<1024x512xbf16>, vector<512x256xbf16>, vector<1024x256xf32> -> vector<1024x256xf32>
    %get3A_39 = arith.constant 0 : index
    %get3A_40 = arith.constant 0 : index
    %get3A_41 = vector.load %arg7[%get3A_39, %get3A_40] : memref<1x256xf32, #tpu.memory_space<vmem>>, vector<1x256xf32>
    %add3A_42 = vector.broadcast %get3A_41 : vector<1x256xf32> to vector<1024x256xf32>
    %add3A_43 = arith.addf %dot_general3A_38, %add3A_42 : vector<1024x256xf32>
    %max3A_44 = arith.constant 0.000000e+00 : f32
    %max3A_45 = vector.broadcast %max3A_44 : f32 to vector<1024x256xf32>
    %max3A_46 = arith.maximumf %add3A_43, %max3A_45 : vector<1024x256xf32>
    %convert_element_type3A_47 = arith.truncf %max3A_46 : vector<1024x256xf32> to vector<1024x256xbf16>
    %get3A_48 = arith.constant 0 : index
    %get3A_49 = arith.constant 0 : index
    %get3A_50 = vector.load %arg8[%get3A_48, %get3A_49] : memref<256x128xf32, #tpu.memory_space<vmem>>, vector<256x128xf32>
    %convert_element_type3A_51 = arith.truncf %get3A_50 : vector<256x128xf32> to vector<256x128xbf16>
    %dot_general3A_52 = arith.constant dense<0.000000e+00> : vector<1024x128xf32>
    %dot_general3A_53 = tpu.matmul %convert_element_type3A_47, %convert_element_type3A_51, %dot_general3A_52 {dimension_numbers = #tpu.dot_dimension_numbers<[1], [0], [0], [1], [0, 0, 1, 1], [], []>, transpose_lhs_hint = false} : vector<1024x256xbf16>, vector<256x128xbf16>, vector<1024x128xf32> -> vector<1024x128xf32>
    %get3A_54 = arith.constant 0 : index
    %get3A_55 = arith.constant 0 : index
    %get3A_56 = vector.load %arg9[%get3A_54, %get3A_55] : memref<1x128xf32, #tpu.memory_space<vmem>>, vector<1x128xf32>
    %add3A_57 = vector.broadcast %get3A_56 : vector<1x128xf32> to vector<1024x128xf32>
    %add3A_58 = arith.addf %dot_general3A_53, %add3A_57 : vector<1024x128xf32>
    %max3A_59 = arith.constant 0.000000e+00 : f32
    %max3A_60 = vector.broadcast %max3A_59 : f32 to vector<1024x128xf32>
    %max3A_61 = arith.maximumf %add3A_58, %max3A_60 : vector<1024x128xf32>
    %get3A_62 = arith.constant 0 : index
    %get3A_63 = arith.constant 0 : index
    %get3A_64 = vector.load %arg10[%get3A_62, %get3A_63] : memref<1x128xf32, #tpu.memory_space<vmem>>, vector<1x128xf32>
    %mul3A = vector.broadcast %get3A_64 : vector<1x128xf32> to vector<1024x128xf32>
    %mul3A_65 = arith.mulf %max3A_61, %mul3A : vector<1024x128xf32>
    %reduce_sum3A = arith.constant dense<0.000000e+00> : vector<1024xf32>
    %reduce_sum3A_66 = vector.multi_reduction <add>, %mul3A_65, %reduce_sum3A [1] : vector<1024x128xf32> to vector<1024xf32>
    %broadcast_in_dim3A = vector.shape_cast %reduce_sum3A_66 : vector<1024xf32> to vector<1024x1xf32>
    %get3A_67 = arith.constant 0 : index
    %get3A_68 = arith.constant 0 : index
    %get3A_69 = vector.load %arg11[%get3A_67, %get3A_68] : memref<1x1xf32, #tpu.memory_space<vmem>>, vector<1x1xf32>
    %get3A_70 = vector.extract %get3A_69[0, 0] : f32 from vector<1x1xf32>
    %add3A_71 = vector.broadcast %get3A_70 : f32 to vector<1024x1xf32>
    %add3A_72 = arith.addf %broadcast_in_dim3A, %add3A_71 : vector<1024x1xf32>
    %swap3A = arith.constant 0 : index
    %swap3A_73 = arith.constant 0 : index
    %swap3A_74 = vector.load %arg12[%swap3A, %swap3A_73] : memref<1024x1xf32, #tpu.memory_space<vmem>>, vector<1024x1xf32>
    tpu.vector_store %arg12[%swap3A, %swap3A_73], %add3A_72 {strides = array<i32>} : memref<1024x1xf32, #tpu.memory_space<vmem>>, vector<1024x1xf32>,
    return
  }
  func.func @transform_0(%arg0: i32) -> (i32, i32) {
    %c0_i32 = arith.constant 0 : i32
    %c0_i32_0 = arith.constant 0 : i32
    return %c0_i32, %arg0 : i32, i32
  }
  func.func @transform_1(%arg0: i32) -> (i32, i32) {
    %c0_i32 = arith.constant 0 : i32
    %c0_i32_0 = arith.constant 0 : i32
    %c0_i32_1 = arith.constant 0 : i32
    return %c0_i32, %c0_i32_0 : i32, i32
  }
  func.func @transform_2(%arg0: i32) -> (i32, i32) {
    %c0_i32 = arith.constant 0 : i32
    %c0_i32_0 = arith.constant 0 : i32
    return %c0_i32, %arg0 : i32, i32
  }
  func.func @transform_3(%arg0: i32) -> (i32, i32) {
    %c0_i32 = arith.constant 0 : i32
    %c0_i32_0 = arith.constant 0 : i32
    %c0_i32_1 = arith.constant 0 : i32
    return %c0_i32, %c0_i32_0 : i32, i32
  }
  func.func @transform_4(%arg0: i32) -> (i32, i32) {
    %c0_i32 = arith.constant 0 : i32
    %c0_i32_0 = arith.constant 0 : i32
    %c0_i32_1 = arith.constant 0 : i32
    return %c0_i32, %c0_i32_0 : i32, i32
  }
  func.func @transform_5(%arg0: i32) -> (i32, i32) {
    %c0_i32 = arith.constant 0 : i32
    %c0_i32_0 = arith.constant 0 : i32
    %c0_i32_1 = arith.constant 0 : i32
    return %c0_i32, %c0_i32_0 : i32, i32
  }
  func.func @transform_6(%arg0: i32) -> (i32, i32) {
    %c0_i32 = arith.constant 0 : i32
    %c0_i32_0 = arith.constant 0 : i32
    %c0_i32_1 = arith.constant 0 : i32
    return %c0_i32, %c0_i32_0 : i32, i32
  }
  func.func @transform_7(%arg0: i32) -> (i32, i32) {
    %c0_i32 = arith.constant 0 : i32
    %c0_i32_0 = arith.constant 0 : i32
    %c0_i32_1 = arith.constant 0 : i32
    return %c0_i32, %c0_i32_0 : i32, i32
  }
  func.func @transform_8(%arg0: i32) -> (i32, i32) {
    %c0_i32 = arith.constant 0 : i32
    %c0_i32_0 = arith.constant 0 : i32
    %c0_i32_1 = arith.constant 0 : i32
    return %c0_i32, %c0_i32_0 : i32, i32
  }
  func.func @transform_9(%arg0: i32) -> (i32, i32) {
    %c0_i32 = arith.constant 0 : i32
    %c0_i32_0 = arith.constant 0 : i32
    %c0_i32_1 = arith.constant 0 : i32
    return %c0_i32, %c0_i32_0 : i32, i32
  }
  func.func @transform_10(%arg0: i32) -> (i32, i32) {
    %c0_i32 = arith.constant 0 : i32
    %c0_i32_0 = arith.constant 0 : i32
    %c0_i32_1 = arith.constant 0 : i32
    return %c0_i32, %c0_i32_0 : i32, i32
  }
  func.func @transform_11(%arg0: i32) -> (i32, i32) {
    %c0_i32 = arith.constant 0 : i32
    %c0_i32_0 = arith.constant 0 : i32
    return %arg0, %c0_i32 : i32, i32
  }
}

</mosaic_0001>

<sc_bundles>
// kernel: kernel.5.cloned.1.call-start
scs
__scs_entry_jumppad:
0x0: {  	(pc) =	sbr.rel $0x88, $3  }
0x1: {  	(tag) =	ssettag $0x0;
	lr =	simm.s32 $0x1  }
0x2: {  	[smem:$0x3F94] =	sst lr;
	_ =	strace $0xD0000000  }
0x3: {  	_ = 	snop  }
0x4: {  	_ = 	snop  }
0x5: {  	_ = 	snop  }
0x6: {  	_ = 	snop  }
0x7: {  	_ = 	snop  }
__scs_overlays_trampoline_lowered:
0x8: {  	[smem:$0x3FA3] =	sst s0  }
0x9: {  	[smem:$0x3FA4] =	sst s1  }
0xa: {  	[smem:$0x3FA5] =	sst s2  }
0xb: {  	[smem:$0x3FA6] =	sst s3  }
0xc: {  	[smem:$0x3FA7] =	sst s4  }
0xd: {  	[smem:$0x3FA8] =	sst s5  }
0xe: {  	[smem:$0x3FA9] =	sst s6  }
0xf: {  	[smem:$0x3FAA] =	sst s7  }
0x10: {  	[smem:$0x3FAB] =	sst s8  }
0x11: {  	[smem:$0x3FAC] =	sst s9;
	s0 =	simm.s32 @!p0 $0x0  }
0x12: {  	s1 =	sld [smem:$0x3F92];
	s0 =	simm.s32 @p0 $0x1  }
0x13: {  	[smem:$0x3FAD] =	sst s0;
	s0 =	simm.s32 @!p1 $0x0  }
0x14: {  	s2 =	sld [smem:$0x3F91];
	s0 =	simm.s32 @p1 $0x1  }
0x15: {  	[smem:$0x3FAE] =	sst s0;
	s0 =	simm.s32 @!p2 $0x0  }
0x16: {  	s3 =	sld [smem:$0x3FDB];
	s0 =	simm.s32 @p2 $0x1  }
0x17: {  	s4 =	simm.s32 $0x1BF5;
	[smem:$0x3FB0] =	sst s0  }
0x18: {  	s0 =	sld [smem:$0x3F93];
	_ =	swait.ge [sflag:s4], $0x0  }
0x19: {  	s7 =	sld [smem:$0x3F94]  }
0x1a: {  	s8 =	sadd.s32 $0xFFFFE003, lr  }
0x1b: {  	s9 =	sadd.s32 $0xFFFFFEF7, lr;
	s5 =	simm.s32 $0xFFFFFFFF;
	p2 =	slt.u32 s8, $0xFFFFF086  }
0x1c: {  	p1 =	slt.u32 s9, $0xF7A;
	s5 =	simm.s32 @!p2 $0x0  }
0x1d: {  	s5 =	simm.s32 @p1 $0x1;
	p0 =	seq.s32 s7, s2  }
0x1e: {  	s7 =	smul.u32 @!p0 $0xF7A, s2;
	p2 =	seq.s32 @!p0 s5, $0x0  }
0x1f: {  	s9 =	smul.u32 $0xF7A, s1;
	s8 =	simm.s32 @!p0 $0x1BF5;
	p2 =	por !p2, p0  }
0x20: {  	[sflag:s8] =	ssyncset.s32 @!p0 $0xFFFFF086;
	s6 =	sadd.s32 @!p0 s3, s7;
	s7 =	simm.s32 @!p0 $0x108  }
0x21: {  	s3 =	sadd.s32 s3, s9;
	s6 =	sadd.s32 @!p0 $0x88, s6;
	s7 =	simm.s32 @p2 $0x1082  }
0x22: {  	[simem:s7], [sflag:s8] =	dma.local @!p0 [hbm:s6], $0xF7A  }
0x23: {  	s9 =	sor.u32 $0xD0000000, s2;
	s6 =	simm.s32 $0x108;
	_ =	swait.ge @!p0 [sflag:s8], $0x0  }
0x24: {  	s3 =	sadd.s32 $0x88, s3;
	s6 =	simm.s32 @!p1 $0x1082;
	[sflag:s4] =	ssyncset.s32 $0xFFFFF086  }
0x25: {  	[simem:s6], [sflag:s4] =	dma.local [hbm:s3], $0xF7A  }
0x26: {  	[smem:$0x3F94] =	sst s1;
	(tag) =	ssettag s2;
	_ =	strace s9  }
0x27: {  	s1 =	sld [smem:$0x3FA4]  }
0x28: {  	s2 =	sld [smem:$0x3FA5]  }
0x29: {  	s4 =	sld [smem:$0x3FA7]  }
0x2a: {  	p0 =	seq.s32 s5, $0x0;
	s5 =	sld [smem:$0x3FA8]  }
0x2b: {  	s6 =	sld [smem:$0x3FA9]  }
0x2c: {  	s7 =	sld [smem:$0x3FAA]  }
0x2d: {  	s3 =	simm.s32 $0x108;
	s8 =	sld [smem:$0x3FAB]  }
0x2e: {  	s3 =	simm.s32 @!p0 $0x1082;
	s9 =	sld [smem:$0x3FAC]  }
0x2f: {  	lr =	sadd.s32 s0, s3;
	s0 =	sld [smem:$0x3FA3]  }
0x30: {  	s3 =	sld [smem:$0x3FA6]  }
0x31: {  	[smem:$0x3FAF] =	sst s10  }
0x32: {  	s10 =	sld [smem:$0x3FAD];
	_ =	sdelay $0x3  }
0x33: {  	p0 =	seq.s32 s10, $0x1;
	s10 =	sld [smem:$0x3FAF];
	_ =	sdelay $0x3  }
0x34: {  	[smem:$0x3FAF] =	sst s10  }
0x35: {  	s10 =	sld [smem:$0x3FAE];
	_ =	sdelay $0x3  }
0x36: {  	p1 =	seq.s32 s10, $0x1;
	s10 =	sld [smem:$0x3FAF];
	_ =	sdelay $0x3  }
0x37: {  	[smem:$0x3FAF] =	sst s10  }
0x38: {  	s10 =	sld [smem:$0x3FB0]  }
0x39: {  	_ = 	snop;
	(pc) =	sbr.ind lr, $3  }
0x3a: {  	_ = 	snop  }
0x3b: {  	_ = 	snop  }
0x3c: {  	p2 =	seq.s32 s10, $0x1;
	s10 =	sld [smem:$0x3FAF]  }
0x3d: {  	_ =	shalt  }
0x3e: {  	_ =	shalt  }
0x3f: {  	_ =	shalt  }
0x40: {  	_ =	shalt  }
0x41: {  	_ =	shalt  }
0x42: {  	_ =	shalt  }
0x43: {  	_ =	shalt  }
0x44: {  	_ =	shalt  }
0x45: {  	_ =	shalt  }
0x46: {  	_ =	shalt  }
0x47: {  	_ =	shalt  }
0x48: {  	_ =	shalt  }
0x49: {  	_ =	shalt  }
0x4a: {  	_ =	shalt  }
0x4b: {  	_ =	shalt  }
0x4c: {  	_ =	shalt  }
0x4d: {  	_ =	shalt  }
0x4e: {  	_ =	shalt  }
0x4f: {  	_ =	shalt  }
0x50: {  	_ =	shalt  }
0x51: {  	_ =	shalt  }
0x52: {  	_ =	shalt  }
0x53: {  	_ =	shalt  }
0x54: {  	_ =	shalt  }
0x55: {  	_ =	shalt  }
0x56: {  	_ =	shalt  }
0x57: {  	_ =	shalt  }
0x58: {  	_ =	shalt  }
0x59: {  	_ =	shalt  }
0x5a: {  	_ =	shalt  }
0x5b: {  	_ =	shalt  }
0x5c: {  	_ =	shalt  }
0x5d: {  	_ =	shalt  }
0x5e: {  	_ =	shalt  }
0x5f: {  	_ =	shalt  }
0x60: {  	_ =	shalt  }
0x61: {  	_ =	shalt  }
0x62: {  	_ =	shalt  }
0x63: {  	_ =	shalt  }
0x64: {  	_ =	shalt  }
0x65: {  	_ =	shalt  }
0x66: {  	_ =	shalt  }
0x67: {  	_ =	shalt  }
0x68: {  	_ =	shalt  }
0x69: {  	_ =	shalt  }
0x6a: {  	_ =	shalt  }
0x6b: {  	_ =	shalt  }
0x6c: {  	_ =	shalt  }
0x6d: {  	_ =	shalt  }
0x6e: {  	_ =	shalt  }
0x6f: {  	_ =	shalt  }
0x70: {  	_ =	shalt  }
0x71: {  	_ =	shalt  }
0x72: {  	_ =	shalt  }
0x73: {  	_ =	shalt  }
0x74: {  	_ =	shalt  }
0x75: {  	_ =	shalt  }
0x76: {  	_ =	shalt  }
0x77: {  	_ =	shalt  }
0x78: {  	_ =	shalt  }
0x79: {  	_ =	shalt  }
0x7a: {  	_ =	shalt  }
0x7b: {  	_ =	shalt  }
0x7c: {  	_ =	shalt  }
0x7d: {  	_ =	shalt  }
0x7e: {  	_ =	shalt  }
0x7f: {  	_ =	shalt  }
0x80: {  	_ =	shalt  }
0x81: {  	_ =	shalt  }
0x82: {  	_ =	shalt  }
0x83: {  	_ =	shalt  }
0x84: {  	_ =	shalt  }
0x85: {  	_ =	shalt  }
0x86: {  	_ =	shalt  }
0x87: {  	_ =	shalt  }
.Lfunc_end0:
.L_simem_size_0:
called_computation_lowered:
.L_overlay_start_0:
0x88: {  	s0 =	sld [smem:$0x3FD9]  }
0x89: {  	s1 =	sld [smem:$0x3FFE];
	_ =	sdelay $0x3  }
0x8a: {  	s0 =	sadd.s32 s1, s0  }
0x8b: {  	[smem:$0x3FBB] =	sst s0  }
0x8c: {  	_ = 	snop  }
0x8d: {  	s0 =	sld [smem:$0x3FC9]  }
0x8e: {  	s16 =	sld [smem:$0x3FC7]  }
0x8f: {  	s2 =	sld [smem:$0x3FD0];
	(tm) =	ssettm $0x1  }
0x90: {  	s3 =	sld [smem:$0x3FFB];
	_ =	sdelay $0x3  }
0x91: {  	_ =	strace s3  }
0x92: {  	s3 =	sld [smem:$0x3FFC];
	_ =	sdelay $0x3  }
0x93: {  	_ =	strace s3  }
0x94: {  	s3 =	sld [smem:$0x3FFD];
	_ =	sdelay $0x3  }
0x95: {  	_ =	strace s3  }
0x96: {  	_ =	strace $0x8FFFFFFF  }
0x97: {  	s17 =	sld [smem:$0x3FDB];
	_ =	sdelay $0x1  }
0x98: {  	s4 =	simm.s32 $_scs_section_size  }
0x99: {  	s5 =	simm.s32 $_size__tile_overlayer_lowered;
	s6 =	simm.s32 $_tile_overlayer_lowered  }
0x9a: {  	s20 =	simm.s32 $0x1BFF;
	s19 =	sshll.u32 s6, $0x1;
	s3 =	sadd.s32 s4, s17  }
0x9b: {  	s7 =	simm.s32 $0x0;
	s18 =	sshll.u32 s5, $0x1;
	s5 =	sadd.s32 s19, s3  }
0x9c: {  	[timem:s7], [sflag:s20] =	dma.local [hbm:s5], s18  }
0x9d: {  	_ =	swait.ge [sflag:s20], s18  }
0x9e: {  	s4 =	ssub.s32 $0x0, s18;
	[sflag:s20] =	ssyncset.done $0x0  }
0x9f: {  	[sflag:s20] =	ssyncadd.s32 s4;
	_ =	sdelay $0x1  }
0xa0: {  	s21 =	simm.s32 $0x1B8B  }
0xa1: {  	_ =	swait.ge [sflag:s21], $0x1  }
0xa2: {  	[sflag:s21] =	ssyncset.done $0x0  }
0xa3: {  	s23 =	simm.s32 $0x1B8E;
	s22 =	sld [smem:$0x3FFE];
	[sflag:s21] =	ssyncadd.s32 $0xFFFFFFFF  }
0xa4: {  	s24 =	simm.s32 $execute0_lowered;
	[smem:$0x3FD2] =	sst s23  }
0xa5: {  	s5 =	sshll.u32 s24, $0x1;
	_ =	strace $0x80000046;
	[dreg:$0x1] =	wrdreg $0xFFFFFFFF  }
0xa6: {  	s25 =	simm.s32 $_size_execute0_lowered;
	s3 =	sadd.s32 s3, s5;
	[dreg:$0x0] =	wrdreg $0x0  }
0xa7: {  	s5 =	sshll.u32 s25, $0x1;
	[dreg:$0x2] =	wrdreg s3  }
0xa8: {  	[dreg:$0x3] =	wrdreg s5  }
0xa9: {  	[dreg:$0x4] =	wrdreg $0xC0  }
0xaa: {  	_ =	task [dreg:s7], $0x5FFFF  }
0xab: {  	[dreg:$0x1] =	wrdreg $0xFFFFFFFF  }
0xac: {  	[dreg:$0x0] =	wrdreg $0x60  }
0xad: {  	[dreg:$0x2] =	wrdreg s16  }
0xae: {  	[dreg:$0x3] =	wrdreg s0  }
0xaf: {  	[dreg:$0x4] =	wrdreg s22  }
0xb0: {  	[dreg:$0x5] =	wrdreg s2  }
0xb1: {  	[dreg:$0x6] =	wrdreg $0x9  }
0xb2: {  	_ =	task.clear_ibuf [dreg:s7], $0x7FFFF;
	_ =	strace $0x90000046  }
0xb3: {  	s26 =	simm.s32 $0x9;
	_ =	strace $0x80000048  }
0xb4: {  	_ =	swait.ge [sflag:s26], $0x1  }
0xb5: {  	[sflag:s26] =	ssyncadd.s32 $0xFFFFFFFF  }
0xb6: {  	_ =	strace $0x90000048  }
0xb7: {  	_ =	sfence  }
0xb8: {  	s28 =	sld [smem:$0x0];
	_ =	sdelay $0x1  }
0xb9: {  	s29 =	srdreg.scid  }
0xba: {  	s30 =	sshll.u32 s29, $0xD;
	s31 =	sshrl.u32 s29, $0x2  }
0xbb: {  	s1 =	sand.u32 $0x1, s29;
	s2 =	sand.u32 $0x4000, s30;
	s0 =	sadd.s32 s31, s28  }
0xbc: {  	s1 =	sor.u32 s2, s1;
	s0 =	sshll.u32 s0, $0x11  }
0xbd: {  	s0 =	sor.u32 s0, s1  }
0xbe: {  	s0 =	sadd.s32 $0x8F2B, s0  }
0xbf: {  	[sflag:s0] =	ssyncadd.remote.s32 $0x1  }
0xc0: {  	_ =	sfence.sel $0xFFFF  }
0xc1: {  	[dreg:$0x0] =	wrdreg $0xFFFFFFFF;
	(pc) =	sbr.abs _section_cstart, $3  }
0xc2: {  	[dreg:$0x1] =	wrdreg $0xFFFFFFFF  }
0xc3: {  	_ =	task.clear_ibuf [dreg:s7], $0x2FFFF;
	_ =	strace $0x9FFFFFFF  }
0xc4: {  	(tm) =	ssettm $0x7FFFFFFF  }
0xc5: {  	_ =	shalt  }
tec
execute0_lowered:
.L_overlay_start_1:
0x0: {  	(tag) =	ssettag $0x1  }
0x1: {  	s1 =	rddreg [dreg:$0x0]  }
0x2: {  	s3 =	rddreg [dreg:$0x1]  }
0x3: {  	s4 =	rddreg [dreg:$0x2]  }
0x4: {  	s2 =	rddreg [dreg:$0x3];
	s5 =	simm.s32 $0x0  }
0x5: {  	[smem:$0x7FF] =	sst s5  }
0x6: {  	s0 =	rddreg [dreg:$0x4];
	s6 =	simm.s32 $0x1;
	_ =	strace $0x80000047  }
0x7: {  	[tilespmem:s5], [sflag:$0x1] =	stream.linear.gather [hbm4b:s1+s5], $0x4000, $0x38;
	[tilespmem:$0xC200] =	vst v63  }
0x8: {  	s1 =	stileid.u32;
	_ =	swait.ge [sflag:s6], $0x4000  }
0x9: {  	s7 =	sshll.u32 s1, $0x5;
	[sflag:s6] =	ssyncset.done $0x0  }
0xa: {  	s25 =	simm.s32 $0x4000;
	s3 =	sadd.s32 s3, s7;
	[sflag:s6] =	ssyncadd.s32 $0xFFFFC000  }
0xb: {  	[tilespmem:s25], [sflag:$0x1] =	stream.linear.gather [hbm4b:s3+s5], $0x100, $0x38;
	[tilespmem:$0xC200] =	vst v63  }
0xc: {  	_ =	swait.ge [sflag:s6], $0x100  }
0xd: {  	[sflag:s6] =	ssyncset.done $0x0  }
0xe: {  	s28 =	simm.s32 $0x4180;
	s26 =	sadd.s32 $0x1C00, s4;
	[sflag:s6] =	ssyncadd.s32 $0xFFFFFF00  }
0xf: {  	[tilespmem:s28], [sflag:$0x1] =	stream.linear.gather [hbm4b:s26+s5], $0x80, $0x38;
	[tilespmem:$0xC200] =	vst v63  }
0x10: {  	_ =	swait.ge [sflag:s6], $0x80  }
0x11: {  	[sflag:s6] =	ssyncset.done $0x0  }
0x12: {  	s29 =	simm.s32 $0x0;
	[sflag:s6] =	ssyncadd.s32 $0xFFFFFF80  }
0x13: {  	v0 =	vld [tilespmem:s29+$0x4000];
	_ =	sdelay $0x4  }
0x14: {  	(v2sf) =	vpush v0, $0x0;
	_ =	sdelay $0xe  }
0x15: {  	s30 =	spop (v2sf)  }
0x16: {  	v2 =	vld [tilespmem:$0x4190];
	s3 =	sshll.u32 s30, $0x9  }
0x17: {  	v0 =	vld [tilespmem:$0x4180];
	s3 =	sshra.s32 s3, $0x2  }
0x18: {  	v4 =	vld [tilespmem:s3+$0x0]  }
0x19: {  	v6 =	vld [tilespmem:s3+$0x10]  }
0x1a: {  	v5 =	vld [tilespmem:$0x41A0]  }
0x1b: {  	v7 =	vld [tilespmem:s3+$0x20]  }
0x1c: {  	v3 =	vld [tilespmem:$0x41B0]  }
0x1d: {  	v8 =	vld [tilespmem:s3+$0x30]  }
0x1e: {  	v1 =	vld [tilespmem:$0x41C0];
	v9 =	vmul.f32 v4, v0;
	v6 =	vmul.f32 v6, v2  }
0x1f: {  	v10 =	vld [tilespmem:s3+$0x40]  }
0x20: {  	v11 =	vld [tilespmem:s3+$0x50];
	v7 =	vmul.f32 v7, v5;
	v9 =	vadd.f32 v6, v9  }
0x21: {  	v4 =	vld [tilespmem:$0x41D0]  }
0x22: {  	v12 =	vld [tilespmem:s3+$0x60];
	v8 =	vmul.f32 v8, v3;
	v9 =	vadd.f32 v7, v9  }
0x23: {  	v6 =	vld [tilespmem:$0x41E0]  }
0x24: {  	v7 =	vld [tilespmem:$0x41F0];
	v8 =	vadd.f32 v8, v9;
	v9 =	vmul.f32 v10, v1  }
0x25: {  	v10 =	vld [tilespmem:s3+$0x70]  }
0x26: {  	v8 =	vadd.f32 v9, v8;
	v9 =	vmul.f32 v11, v4;
	_ =	sdelay $0x1  }
0x27: {  	v8 =	vadd.f32 v9, v8;
	v9 =	vmul.f32 v12, v6;
	_ =	sdelay $0x1  }
0x28: {  	v8 =	vadd.f32 v9, v8;
	v9 =	vmul.f32 v10, v7;
	_ =	sdelay $0x1  }
0x29: {  	v8 =	vadd.f32 v9, v8  }
0x2a: {  	s3 =	simm.s32 $0x4200  }
0x2b: {  	s31 =	simm.s32 $0x1;
	[tilespmem:s3+$0x0] =	vst v8  }
0x2c: {  	s4 =	simm.s32 $0x8;
	v8 =	vld [tilespmem:s31+$0x4000]  }
.LBB2_1:
0x2d: {  	p0 =	sne.s32 s4, $0x3FC;
	_ =	sdelay $0x3  }
0x2e: {  	(v2sf) =	vpush v8, $0x0;
	_ =	sdelay $0xe  }
0x2f: {  	s5 =	spop (v2sf)  }
0x30: {  	s5 =	sshll.u32 s5, $0x9  }
0x31: {  	s5 =	sshra.s32 s5, $0x2  }
0x32: {  	v8 =	vld [tilespmem:s5+$0x0]  }
0x33: {  	v9 =	vld [tilespmem:s5+$0x10];
	_ =	sdelay $0x1  }
0x34: {  	v10 =	vld [tilespmem:s5+$0x20];
	_ =	sdelay $0x1  }
0x35: {  	v11 =	vld [tilespmem:s5+$0x30]  }
0x36: {  	v8 =	vmul.f32 v8, v0;
	v9 =	vmul.f32 v9, v2  }
0x37: {  	v12 =	vld [tilespmem:s5+$0x40]  }
0x38: {  	v8 =	vadd.f32 v9, v8;
	v9 =	vmul.f32 v10, v5  }
0x39: {  	v10 =	vld [tilespmem:s5+$0x50]  }
0x3a: {  	v8 =	vadd.f32 v9, v8;
	v9 =	vmul.f32 v11, v3  }
0x3b: {  	v11 =	vld [tilespmem:s5+$0x60]  }
0x3c: {  	v8 =	vadd.f32 v9, v8;
	v9 =	vmul.f32 v12, v1  }
0x3d: {  	v12 =	vld [tilespmem:s5+$0x70]  }
0x3e: {  	v8 =	vadd.f32 v9, v8;
	v9 =	vmul.f32 v10, v4;
	_ =	sdelay $0x1  }
0x3f: {  	v8 =	vadd.f32 v9, v8;
	v9 =	vmul.f32 v11, v6;
	_ =	sdelay $0x1  }
0x40: {  	v8 =	vadd.f32 v9, v8;
	v9 =	vmul.f32 v12, v7  }
.Ltmp0:
0x41: {  	(pc) =	sbr.rel @p0 .LBB2_1-.Ltmp0, $4  }
0x42: {  	v8 =	vadd.f32 v9, v8  }
0x43: {  	s3 =	sadd.s32 $0x80, s3  }
0x44: {  	s5 =	sshra.s32 s4, $0x2;
	[tilespmem:s3+$0x0] =	vst v8  }
0x45: {  	s4 =	sadd.s32 $0x4, s4;
	v8 =	vld [tilespmem:s5+$0x4000]  }
0x46: {  	_ =	sdelay $0x3  }
0x47: {  	(v2sf) =	vpush v8, $0x0;
	_ =	sdelay $0xe  }
0x48: {  	s4 =	spop (v2sf)  }
0x49: {  	s4 =	sshll.u32 s4, $0x9  }
0x4a: {  	s4 =	sshra.s32 s4, $0x2  }
0x4b: {  	v54 =	vld [tilespmem:s4+$0x0]  }
0x4c: {  	v9 =	vld [tilespmem:s4+$0x10];
	_ =	sdelay $0x1  }
0x4d: {  	v10 =	vld [tilespmem:s4+$0x20];
	_ =	sdelay $0x1  }
0x4e: {  	v11 =	vld [tilespmem:s4+$0x30]  }
0x4f: {  	v0 =	vmul.f32 v54, v0;
	v2 =	vmul.f32 v9, v2  }
0x50: {  	v55 =	vld [tilespmem:s4+$0x40]  }
0x51: {  	v56 =	vmul.f32 v10, v5;
	v0 =	vadd.f32 v2, v0  }
0x52: {  	v57 =	vld [tilespmem:s4+$0x50]  }
0x53: {  	v58 =	vmul.f32 v11, v3;
	v0 =	vadd.f32 v56, v0  }
0x54: {  	v59 =	vld [tilespmem:s4+$0x60]  }
0x55: {  	v1 =	vmul.f32 v55, v1;
	v0 =	vadd.f32 v58, v0  }
0x56: {  	v60 =	vld [tilespmem:s4+$0x70]  }
0x57: {  	v61 =	vmul.f32 v57, v4;
	v0 =	vadd.f32 v1, v0;
	_ =	sdelay $0x1  }
0x58: {  	v62 =	vmul.f32 v59, v6;
	v0 =	vadd.f32 v61, v0;
	_ =	sdelay $0x1  }
0x59: {  	v63 =	vmul.f32 v60, v7;
	v0 =	vadd.f32 v62, v0;
	_ =	sdelay $0x1  }
0x5a: {  	v0 =	vadd.f32 v63, v0  }
0x5b: {  	s3 =	sadd.s32 $0x80, s3;
	s28 =	sshll.u32 s1, $0xC;
	s29 =	simm.s32 $0x0  }
0x5c: {  	s30 =	simm.s32 $0x4200;
	s31 =	simm.s32 $0x1;
	s2 =	sadd.s32 s2, s28;
	[tilespmem:s3+$0x0] =	vst v0  }
0x5d: {  	[hbm4b:s2+s29] =	stream.linear.scatter [tilespmem:s30], [sflag:$0x1], $0x8000, $0x38;
	[tilespmem:$0xC200] =	vst v63  }
0x5e: {  	_ =	swait.ge [sflag:s31], $0x8000  }
0x5f: {  	[sflag:s31] =	ssyncset.done $0x0  }
0x60: {  	[sflag:s31] =	ssyncadd.s32 $0xFFFF8000  }
0x61: {  	_ =	sfence.sel $0x180000  }
0x62: {  	[bflag:$0x0] =	sbarrier.arrive $0xFFFF  }
0x63: {  	p0 =	sne.s32 s1, $0x0;
	_ =	strace $0x90000047  }
0x64: {  	s0 =	sadd.s32 @!p0 $0x100000, s0;
	[bflag:$0x2] =	sbarrier.arrive $0xFFFF  }
0x65: {  	[sflag:s0] =	ssyncadd.tile.s32 @!p0 $0x1;
	_ =	shalt  }
.Lfunc_end2:
_tile_overlayer_lowered:
.L_overlay_start_2:
0x66: {  	(tag) =	ssettag $0x2  }
0x67: {  	s0 =	rddreg [dreg:$0x0];
	s2 =	stileid.u32  }
0x68: {  	s1 =	rddreg [dreg:$0x1];
	p0 =	sne.s32 s2, $0x0  }
0x69: {  	s3 =	rddreg [dreg:$0x2];
	[bflag:$0x3] =	sbarrier.arrive $0xFFFF;
	s2 =	simm.s32 @!p0 $0x1C01  }
0x6a: {  	[timem:s3], [sflag:s2] =	dma.local @!p0 [hbm:s0], s1  }
0x6b: {  	s0 =	simm.s32 @!p0 $0x1  }
0x6c: {  	_ =	swait.ge @!p0 [sflag:s0], s1  }
0x6d: {  	s1 =	ssub.s32 @!p0 $0x0, s1;
	[sflag:s0] =	ssyncset.done @!p0 $0x0  }
0x6e: {  	[sflag:s0] =	ssyncadd.s32 @!p0 s1  }
0x6f: {  	[bflag:$0x3] =	sbarrier.arrive $0xFFFF  }
0x70: {  	_ =	shalt  }

</sc_bundles>
